<compile_context>
chip_gen: v7x
topology: tpu7x:2x2x1
jax: 0.10.2.dev20260603
libtpu: 0.0.44.dev20260713+nightly
codegen_flags: <defaults>
</compile_context>

<pallas_src>
import jax
import jax.numpy as jnp
from jax import lax
from jax.experimental import pallas as pl
from jax.experimental.pallas import tpu as pltpu
from jax.experimental.pallas import tpu_sc as plsc

_N = 10000
_H = 64
_EPS = 1e-5

_NC = 2
_NS = 16
_CH = 128
_L = 16

_KBLK = 32
_N_PAD = 10240
_RPT = _N_PAD // _NS
_RHALF = _RPT // 2


def _stage_a(x_ref, wl_ref, wr_ref, t_ref, yr_ref):
    xv = x_ref[...]
    hi = jax.lax.Precision.HIGHEST
    t_ref[...] = jnp.dot(xv, wl_ref[...].T, precision=hi)
    yr_ref[...] = jnp.dot(xv, wr_ref[...].T, precision=hi)


def _stage_b_body(nblk):
    def body(t_hbm, gidx_hbm, sidx_hbm, z_hbm,
             acc_hbm, cnt_hbm,
             acc_sh, gidx_v, sidx_v, g_v, hist_v, sem):
        c = lax.axis_index("c")
        s = lax.axis_index("s")
        row0 = s * _RPT
        for q in range(2):
            pltpu.sync_copy(z_hbm, acc_sh.at[pl.ds(row0 + q * _RHALF, _RHALF)])
        zeros16 = jnp.zeros((_L,), jnp.float32)

        def zb(i, car):
            hist_v[pl.ds(i * _L, _L)] = zeros16
            return car

        lax.fori_loop(0, _N_PAD // _L, zb, 0)
        plsc.subcore_barrier()

        ones16 = jnp.ones((_L,), jnp.float32)
        cpb = _CH // _L

        def blk(b, car):
            pltpu.sync_copy(gidx_hbm.at[c, s, pl.ds(b * _KBLK, _KBLK)], gidx_v)
            pltpu.sync_copy(sidx_hbm.at[c, s, pl.ds(b * _KBLK, _KBLK)], sidx_v)

            def step(j, car2):
                pltpu.async_copy(t_hbm.at[gidx_v.at[j]], g_v, sem).wait()
                pltpu.sync_copy(g_v, acc_sh.at[sidx_v.at[j]], add=True)
                return car2

            lax.fori_loop(0, _KBLK, step, 0)

            def hstep(i, car2):
                idx = sidx_v[i // cpb, pl.ds((i % cpb) * _L, _L)]
                plsc.addupdate_scatter(hist_v, [idx], ones16)
                return car2

            lax.fori_loop(0, _KBLK * cpb, hstep, 0)
            return car

        lax.fori_loop(0, nblk, blk, 0)
        plsc.subcore_barrier()
        pltpu.sync_copy(acc_sh.at[pl.ds(row0, _RPT)],
                        acc_hbm.at[c, pl.ds(row0, _RPT)])
        pltpu.sync_copy(hist_v, cnt_hbm.at[c * _NS + s])

    return body


def _stage_c(acc_ref, cnt_ref, yr_ref, bf_ref, bb_ref, g_ref, b_ref, out_ref):
    agg_f = acc_ref[0, :_N, :_H]
    agg_b = acc_ref[1, :_N, _H:]
    cnt_in = jnp.sum(cnt_ref[: _NS, :_N], axis=0)
    cnt_out = jnp.sum(cnt_ref[_NS:, :_N], axis=0)
    hf = agg_f / jnp.maximum(cnt_in, 1.0)[:, None] + bf_ref[...][None, :] \
        + yr_ref[:_N, :_H]
    hb = agg_b / jnp.maximum(cnt_out, 1.0)[:, None] + bb_ref[...][None, :] \
        + yr_ref[:_N, _H:]
    h = jnp.concatenate([hf, hb], axis=1)
    mean = jnp.mean(h, axis=0, keepdims=True)
    var = jnp.mean((h - mean) ** 2, axis=0, keepdims=True)
    hn = (h - mean) / jnp.sqrt(var + _EPS) * g_ref[...][None, :] + b_ref[...][None, :]
    out_ref[...] = jnp.maximum(hn, 0.0)


def kernel(x, edge_index, W_fwd_l, b_fwd_l, W_fwd_r, W_bwd_l, b_bwd_l,
           W_bwd_r, gamma, beta):
    n, d = x.shape
    e = edge_index.shape[1]
    K = (e + _NS * _CH - 1) // (_NS * _CH)
    K = ((K + _KBLK - 1) // _KBLK) * _KBLK
    nblk = K // _KBLK
    e_pad = _NS * _CH * K

    x_pad = jnp.zeros((_N_PAD, d), jnp.float32).at[:n].set(x)
    wl = jnp.concatenate([W_fwd_l, W_bwd_l], axis=0)
    wr = jnp.concatenate([W_fwd_r, W_bwd_r], axis=0)

    t, yr = pl.pallas_call(
        _stage_a,
        out_shape=[
            jax.ShapeDtypeStruct((_N_PAD, 2 * _H), jnp.float32),
            jax.ShapeDtypeStruct((_N_PAD, 2 * _H), jnp.float32),
        ],
    )(x_pad, wl, wr)

    pad = jnp.full((e_pad - e,), n, jnp.int32)
    src3 = jnp.concatenate([edge_index[0], pad]).reshape(_NS, K, _CH)
    dst3 = jnp.concatenate([edge_index[1], pad]).reshape(_NS, K, _CH)
    gidx = jnp.stack([src3, dst3])
    sidx = jnp.stack([dst3, src3])
    zrows = jnp.zeros((_RHALF, 2 * _H), jnp.float32)

    sc_kernel = pl.kernel(
        _stage_b_body(nblk),
        out_type=[
            jax.ShapeDtypeStruct((_NC, _N_PAD, 2 * _H), jnp.float32),
            jax.ShapeDtypeStruct((_NC * _NS, _N_PAD), jnp.float32),
        ],
        mesh=plsc.VectorSubcoreMesh(core_axis_name="c", subcore_axis_name="s"),
        compiler_params=pltpu.CompilerParams(needs_layout_passes=False),
        scratch_types=[
            pltpu.VMEM_SHARED((_N_PAD, 2 * _H), jnp.float32),
            pltpu.VMEM((_KBLK, _CH), jnp.int32),
            pltpu.VMEM((_KBLK, _CH), jnp.int32),
            pltpu.VMEM((_CH, 2 * _H), jnp.float32),
            pltpu.VMEM((_N_PAD,), jnp.float32),
            pltpu.SemaphoreType.DMA,
        ],
    )
    acc, cnt = sc_kernel(t, gidx, sidx, zrows)

    out = pl.pallas_call(
        _stage_c,
        out_shape=jax.ShapeDtypeStruct((_N, 2 * _H), jnp.float32),
    )(acc, cnt, yr, b_fwd_l, b_bwd_l, gamma, beta)
    return out

# --- scband reference (transcript-rebuilt; emitter-appended) ---
"""Pipeline reference for scband-bidirectional-sagelayer-72954314490489 (READ-ONLY COPY).

The authoritative reference and input builder live on the scoring server;
editing this copy changes nothing except your own understanding.
"""

import jax, jax.numpy as jnp
import numpy as np

N = 10000
E = 320000
D = 128
H = 64  # out_dim // 2
EPS = 1e-5


def setup_inputs(seed: int = 0) -> dict:
    key = jax.random.key(seed)
    ks = jax.random.split(key, 12)
    x = jax.random.normal(ks[0], (N, D), dtype=jnp.float32)
    edge_index = jax.random.randint(ks[1], (2, E), 0, N, dtype=jnp.int32)
    s = 0.1
    W_fwd_l = jax.random.normal(ks[2], (H, D), dtype=jnp.float32) * s
    b_fwd_l = jnp.zeros((H,), dtype=jnp.float32)
    W_fwd_r = jax.random.normal(ks[3], (H, D), dtype=jnp.float32) * s
    W_bwd_l = jax.random.normal(ks[4], (H, D), dtype=jnp.float32) * s
    b_bwd_l = jnp.zeros((H,), dtype=jnp.float32)
    W_bwd_r = jax.random.normal(ks[5], (H, D), dtype=jnp.float32) * s
    gamma = jnp.ones((2 * H,), dtype=jnp.float32)
    beta = jnp.zeros((2 * H,), dtype=jnp.float32)
    return {
        "x": x,
        "edge_index": edge_index,
        "W_fwd_l": W_fwd_l,
        "b_fwd_l": b_fwd_l,
        "W_fwd_r": W_fwd_r,
        "W_bwd_l": W_bwd_l,
        "b_bwd_l": b_bwd_l,
        "W_bwd_r": W_bwd_r,
        "gamma": gamma,
        "beta": beta,
    }


def _sage_conv(x, src, dst, W_l, b_l, W_r, n):
    # PyG SAGEConv with mean aggregation: out = lin_l(mean_j x_j) + lin_r(x_i)
    msgs = jnp.take(x, src, axis=0)
    agg = jax.ops.segment_sum(msgs, dst, num_segments=n)
    cnt = jax.ops.segment_sum(jnp.ones((src.shape[0],), dtype=x.dtype), dst, num_segments=n)
    agg = agg / jnp.clip(cnt, 1.0, None)[:, None]
    return agg @ W_l.T + b_l + x @ W_r.T


def reference(x, edge_index, W_fwd_l, b_fwd_l, W_fwd_r, W_bwd_l, b_bwd_l, W_bwd_r, gamma, beta):
    n = x.shape[0]
    src, dst = edge_index[0], edge_index[1]
    # forward direction: message src -> dst
    h_fwd = _sage_conv(x, src, dst, W_fwd_l, b_fwd_l, W_fwd_r, n)
    # backward direction: edge_index.flip(0) -> message dst -> src
    h_bwd = _sage_conv(x, dst, src, W_bwd_l, b_bwd_l, W_bwd_r, n)
    h = jnp.concatenate([h_fwd, h_bwd], axis=-1)
    # BatchNorm1d (training mode, batch statistics, biased variance)
    mean = jnp.mean(h, axis=0)
    var = jnp.mean((h - mean) ** 2, axis=0)
    h = (h - mean) / jnp.sqrt(var + EPS) * gamma + beta
    return jax.nn.relu(h)

if __name__ == "__main__":
    import jax
    _d = setup_inputs()
    print(jax.jit(kernel)(*tuple(_d.values())))

</pallas_src>

<mosaic_0001>
#map = affine_map<(d0, d1) -> (0, 0)>
#map1 = affine_map<(d0, d1) -> (0, 0, 0, 0)>
#map2 = affine_map<(d0, d1) -> (0, 0, 0)>
module attributes {stable_mosaic.version = 14 : i64} {
  func.func @body(%arg0: i32, %arg1: i32, %arg2: memref<10240x128xf32, #tpu.memory_space<hbm>>, %arg3: memref<2x16x160x128xi32, #tpu.memory_space<hbm>>, %arg4: memref<2x16x160x128xi32, #tpu.memory_space<hbm>>, %arg5: memref<320x128xf32, #tpu.memory_space<hbm>>, %arg6: memref<2x10240x128xf32, #tpu.memory_space<hbm>>, %arg7: memref<32x10240xf32, #tpu.memory_space<hbm>>, %arg8: memref<10240x128xf32, #tpu.memory_space<vmem_shared>>, %arg9: memref<32x128xi32, #tpu.memory_space<vmem>>, %arg10: memref<32x128xi32, #tpu.memory_space<vmem>>, %arg11: memref<128x128xf32, #tpu.memory_space<vmem>>, %arg12: memref<10240xf32, #tpu.memory_space<vmem>>, %arg13: memref<!tpu.dma_semaphore, #tpu.memory_space<semaphore_mem>>) attributes {dimension_semantics = [#tpu.dimension_semantics<core_parallel>, #tpu.dimension_semantics<subcore_parallel>], iteration_bounds = array<i64: 2, 16>, scalar_prefetch = 0 : i64, scratch_operands = 6 : i64, tpu.core_type = #tpu.core_type<sc_vector_subcore>, window_params = [{transform_indices = #map}, {transform_indices = #map1}, {transform_indices = #map1}, {transform_indices = #map}, {transform_indices = #map2}, {transform_indices = #map}]} {
    %mul3A = arith.constant 640 : i32
    %mul3A_0 = arith.muli %arg1, %mul3A : i32
    %add3A = arith.constant 0 : i32
    %add3A_1 = arith.addi %mul3A_0, %add3A : i32
    "tpu.region"() ({
      %run_scoped3A = tpu.sem_alloc : memref<!tpu.dma_semaphore, #tpu.memory_space<semaphore_mem>>
      %dma_start3A = arith.constant 0 : i32
      %dma_start3A_22 = tpu.memref_slice %arg8[%add3A_1, %dma_start3A] : memref<10240x128xf32, #tpu.memory_space<vmem_shared>> -> memref<320x128xf32, #tpu.memory_space<vmem_shared>>
      tpu.enqueue_dma source(%arg5 : memref<320x128xf32, #tpu.memory_space<hbm>>) target(%dma_start3A_22 : memref<320x128xf32, #tpu.memory_space<vmem_shared>>) target_semaphore(%run_scoped3A : memref<!tpu.dma_semaphore, #tpu.memory_space<semaphore_mem>>)
      %dma_wait3A = arith.constant 0 : i32
      %dma_wait3A_23 = tpu.memref_slice %arg8[%add3A_1, %dma_wait3A] : memref<10240x128xf32, #tpu.memory_space<vmem_shared>> -> memref<320x128xf32, #tpu.memory_space<vmem_shared>>
      tpu.wait_dma2 semaphore(%run_scoped3A : memref<!tpu.dma_semaphore, #tpu.memory_space<semaphore_mem>>) src(%arg5 : memref<320x128xf32, #tpu.memory_space<hbm>>) dst(%dma_wait3A_23 : memref<320x128xf32, #tpu.memory_space<vmem_shared>>)
      tpu.yield
    }) : () -> ()
    %add3A_2 = arith.constant 320 : i32
    %add3A_3 = arith.addi %mul3A_0, %add3A_2 : i32
    "tpu.region"() ({
      %run_scoped3A = tpu.sem_alloc : memref<!tpu.dma_semaphore, #tpu.memory_space<semaphore_mem>>
      %dma_start3A = arith.constant 0 : i32
      %dma_start3A_22 = tpu.memref_slice %arg8[%add3A_3, %dma_start3A] : memref<10240x128xf32, #tpu.memory_space<vmem_shared>> -> memref<320x128xf32, #tpu.memory_space<vmem_shared>>
      tpu.enqueue_dma source(%arg5 : memref<320x128xf32, #tpu.memory_space<hbm>>) target(%dma_start3A_22 : memref<320x128xf32, #tpu.memory_space<vmem_shared>>) target_semaphore(%run_scoped3A : memref<!tpu.dma_semaphore, #tpu.memory_space<semaphore_mem>>)
      %dma_wait3A = arith.constant 0 : i32
      %dma_wait3A_23 = tpu.memref_slice %arg8[%add3A_3, %dma_wait3A] : memref<10240x128xf32, #tpu.memory_space<vmem_shared>> -> memref<320x128xf32, #tpu.memory_space<vmem_shared>>
      tpu.wait_dma2 semaphore(%run_scoped3A : memref<!tpu.dma_semaphore, #tpu.memory_space<semaphore_mem>>) src(%arg5 : memref<320x128xf32, #tpu.memory_space<hbm>>) dst(%dma_wait3A_23 : memref<320x128xf32, #tpu.memory_space<vmem_shared>>)
      tpu.yield
    }) : () -> ()
    %broadcast_in_dim3A = arith.constant 0.000000e+00 : f32
    %broadcast_in_dim3A_4 = vector.broadcast %broadcast_in_dim3A : f32 to vector<16xf32>
    %scan3A = arith.constant 0 : i32
    %scan3A_5 = arith.constant 0 : i32
    %scan3A_6 = arith.constant 640 : i32
    %scan3A_7 = arith.addi %scan3A_5, %scan3A_6 : i32
    %scan3A_8 = arith.constant 1 : i32
    scf.for %scan3A_22 = %scan3A_5 to %scan3A_7 step %scan3A_8  : i32 {
      %mul3A_23 = arith.constant 16 : i32
      %mul3A_24 = arith.muli %scan3A_22, %mul3A_23 : i32
      %swap3A = arith.index_cast %mul3A_24 : i32 to index
      %swap3A_25 = tpu.vector_load %arg12[%swap3A] {strides = array<i32>} : memref<10240xf32, #tpu.memory_space<vmem>>, vector<16xf32>,
      tpu.vector_store %arg12[%swap3A], %broadcast_in_dim3A_4 {strides = array<i32>} : memref<10240xf32, #tpu.memory_space<vmem>>, vector<16xf32>,
    }
    %scan3A_9 = arith.constant 640 : i32
    %barrier3A = arith.constant 0 : index
    tpu.barrier barrier_id(%barrier3A)
    %broadcast_in_dim3A_10 = arith.constant 1.000000e+00 : f32
    %broadcast_in_dim3A_11 = vector.broadcast %broadcast_in_dim3A_10 : f32 to vector<16xf32>
    %scan3A_12 = arith.constant 0 : i32
    %scan3A_13 = arith.constant 0 : i32
    %scan3A_14 = arith.constant 5 : i32
    %scan3A_15 = arith.addi %scan3A_13, %scan3A_14 : i32
    %scan3A_16 = arith.constant 1 : i32
    scf.for %scan3A_22 = %scan3A_13 to %scan3A_15 step %scan3A_16  : i32 {
      %mul3A_23 = arith.constant 32 : i32
      %mul3A_24 = arith.muli %scan3A_22, %mul3A_23 : i32
      "tpu.region"() ({
        %run_scoped3A = tpu.sem_alloc : memref<!tpu.dma_semaphore, #tpu.memory_space<semaphore_mem>>
        %dma_start3A = arith.constant 0 : i32
        %dma_start3A_39 = tpu.memref_slice %arg3[%arg0, %arg1, %mul3A_24, %dma_start3A] : memref<2x16x160x128xi32, #tpu.memory_space<hbm>> -> memref<1x1x32x128xi32, #tpu.memory_space<hbm>>
        %dma_start3A_40 = tpu.memref_squeeze %dma_start3A_39 : memref<1x1x32x128xi32, #tpu.memory_space<hbm>> -> memref<32x128xi32, #tpu.memory_space<hbm>>
        %dma_start3A_41 = arith.constant 0 : i32
        %dma_start3A_42 = tpu.memref_slice %arg3[%arg0, %arg1, %mul3A_24, %dma_start3A_41] : memref<2x16x160x128xi32, #tpu.memory_space<hbm>> -> memref<1x1x32x128xi32, #tpu.memory_space<hbm>>
        %dma_start3A_43 = tpu.memref_squeeze %dma_start3A_42 : memref<1x1x32x128xi32, #tpu.memory_space<hbm>> -> memref<32x128xi32, #tpu.memory_space<hbm>>
        tpu.enqueue_dma source(%dma_start3A_43 : memref<32x128xi32, #tpu.memory_space<hbm>>) target(%arg9 : memref<32x128xi32, #tpu.memory_space<vmem>>) target_semaphore(%run_scoped3A : memref<!tpu.dma_semaphore, #tpu.memory_space<semaphore_mem>>)
        %dma_wait3A = arith.constant 0 : i32
        %dma_wait3A_44 = tpu.memref_slice %arg3[%arg0, %arg1, %mul3A_24, %dma_wait3A] : memref<2x16x160x128xi32, #tpu.memory_space<hbm>> -> memref<1x1x32x128xi32, #tpu.memory_space<hbm>>
        %dma_wait3A_45 = tpu.memref_squeeze %dma_wait3A_44 : memref<1x1x32x128xi32, #tpu.memory_space<hbm>> -> memref<32x128xi32, #tpu.memory_space<hbm>>
        %dma_wait3A_46 = arith.constant 0 : i32
        %dma_wait3A_47 = tpu.memref_slice %arg3[%arg0, %arg1, %mul3A_24, %dma_wait3A_46] : memref<2x16x160x128xi32, #tpu.memory_space<hbm>> -> memref<1x1x32x128xi32, #tpu.memory_space<hbm>>
        %dma_wait3A_48 = tpu.memref_squeeze %dma_wait3A_47 : memref<1x1x32x128xi32, #tpu.memory_space<hbm>> -> memref<32x128xi32, #tpu.memory_space<hbm>>
        tpu.wait_dma2 semaphore(%run_scoped3A : memref<!tpu.dma_semaphore, #tpu.memory_space<semaphore_mem>>) src(%dma_wait3A_48 : memref<32x128xi32, #tpu.memory_space<hbm>>) dst(%arg9 : memref<32x128xi32, #tpu.memory_space<vmem>>)
        tpu.yield
      }) : () -> ()
      %mul3A_25 = arith.constant 32 : i32
      %mul3A_26 = arith.muli %scan3A_22, %mul3A_25 : i32
      "tpu.region"() ({
        %run_scoped3A = tpu.sem_alloc : memref<!tpu.dma_semaphore, #tpu.memory_space<semaphore_mem>>
        %dma_start3A = arith.constant 0 : i32
        %dma_start3A_39 = tpu.memref_slice %arg4[%arg0, %arg1, %mul3A_26, %dma_start3A] : memref<2x16x160x128xi32, #tpu.memory_space<hbm>> -> memref<1x1x32x128xi32, #tpu.memory_space<hbm>>
        %dma_start3A_40 = tpu.memref_squeeze %dma_start3A_39 : memref<1x1x32x128xi32, #tpu.memory_space<hbm>> -> memref<32x128xi32, #tpu.memory_space<hbm>>
        %dma_start3A_41 = arith.constant 0 : i32
        %dma_start3A_42 = tpu.memref_slice %arg4[%arg0, %arg1, %mul3A_26, %dma_start3A_41] : memref<2x16x160x128xi32, #tpu.memory_space<hbm>> -> memref<1x1x32x128xi32, #tpu.memory_space<hbm>>
        %dma_start3A_43 = tpu.memref_squeeze %dma_start3A_42 : memref<1x1x32x128xi32, #tpu.memory_space<hbm>> -> memref<32x128xi32, #tpu.memory_space<hbm>>
        tpu.enqueue_dma source(%dma_start3A_43 : memref<32x128xi32, #tpu.memory_space<hbm>>) target(%arg10 : memref<32x128xi32, #tpu.memory_space<vmem>>) target_semaphore(%run_scoped3A : memref<!tpu.dma_semaphore, #tpu.memory_space<semaphore_mem>>)
        %dma_wait3A = arith.constant 0 : i32
        %dma_wait3A_44 = tpu.memref_slice %arg4[%arg0, %arg1, %mul3A_26, %dma_wait3A] : memref<2x16x160x128xi32, #tpu.memory_space<hbm>> -> memref<1x1x32x128xi32, #tpu.memory_space<hbm>>
        %dma_wait3A_45 = tpu.memref_squeeze %dma_wait3A_44 : memref<1x1x32x128xi32, #tpu.memory_space<hbm>> -> memref<32x128xi32, #tpu.memory_space<hbm>>
        %dma_wait3A_46 = arith.constant 0 : i32
        %dma_wait3A_47 = tpu.memref_slice %arg4[%arg0, %arg1, %mul3A_26, %dma_wait3A_46] : memref<2x16x160x128xi32, #tpu.memory_space<hbm>> -> memref<1x1x32x128xi32, #tpu.memory_space<hbm>>
        %dma_wait3A_48 = tpu.memref_squeeze %dma_wait3A_47 : memref<1x1x32x128xi32, #tpu.memory_space<hbm>> -> memref<32x128xi32, #tpu.memory_space<hbm>>
        tpu.wait_dma2 semaphore(%run_scoped3A : memref<!tpu.dma_semaphore, #tpu.memory_space<semaphore_mem>>) src(%dma_wait3A_48 : memref<32x128xi32, #tpu.memory_space<hbm>>) dst(%arg10 : memref<32x128xi32, #tpu.memory_space<vmem>>)
        tpu.yield
      }) : () -> ()
      %scan3A_27 = arith.constant 0 : i32
      %scan3A_28 = arith.constant 0 : i32
      %scan3A_29 = arith.constant 32 : i32
      %scan3A_30 = arith.addi %scan3A_28, %scan3A_29 : i32
      %scan3A_31 = arith.constant 1 : i32
      scf.for %scan3A_39 = %scan3A_28 to %scan3A_30 step %scan3A_31  : i32 {
        %dma_start3A = arith.constant 0 : i32
        %dma_start3A_40 = tpu.memref_slice %arg9[%scan3A_39, %dma_start3A] : memref<32x128xi32, #tpu.memory_space<vmem>> -> memref<1x128xi32, #tpu.memory_space<vmem>>
        %dma_start3A_41 = tpu.memref_squeeze %dma_start3A_40 : memref<1x128xi32, #tpu.memory_space<vmem>> -> memref<128xi32, #tpu.memory_space<vmem>>
        %dma_start3A_42 = arith.constant 0 : i32
        %dma_start3A_43 = arith.constant 0 : i32
        %dma_start3A_44 = tpu.memref_slice %arg2[%dma_start3A_42, %dma_start3A_43] : memref<10240x128xf32, #tpu.memory_space<hbm>> -> memref<10240x128xf32, #tpu.memory_space<hbm>>
        tpu.enqueue_indirect_dma source(%dma_start3A_44 : memref<10240x128xf32, #tpu.memory_space<hbm>>) target(%arg11 : memref<128x128xf32, #tpu.memory_space<vmem>>) offsets(%dma_start3A_41 : memref<128xi32, #tpu.memory_space<vmem>>) semaphore(%arg13 : memref<!tpu.dma_semaphore, #tpu.memory_space<semaphore_mem>>)
        %dma_wait3A = arith.constant 0 : i32
        %dma_wait3A_45 = tpu.memref_slice %arg9[%scan3A_39, %dma_wait3A] : memref<32x128xi32, #tpu.memory_space<vmem>> -> memref<1x128xi32, #tpu.memory_space<vmem>>
        %dma_wait3A_46 = tpu.memref_squeeze %dma_wait3A_45 : memref<1x128xi32, #tpu.memory_space<vmem>> -> memref<128xi32, #tpu.memory_space<vmem>>
        %dma_wait3A_47 = arith.constant 0 : i32
        %dma_wait3A_48 = arith.constant 0 : i32
        %dma_wait3A_49 = tpu.memref_slice %arg2[%dma_wait3A_47, %dma_wait3A_48] : memref<10240x128xf32, #tpu.memory_space<hbm>> -> memref<10240x128xf32, #tpu.memory_space<hbm>>
        tpu.wait_indirect_dma semaphore(%arg13 : memref<!tpu.dma_semaphore, #tpu.memory_space<semaphore_mem>>) src(%dma_wait3A_49 : memref<10240x128xf32, #tpu.memory_space<hbm>>) dst(%arg11 : memref<128x128xf32, #tpu.memory_space<vmem>>)
        "tpu.region"() ({
          %run_scoped3A = tpu.sem_alloc : memref<!tpu.dma_semaphore, #tpu.memory_space<semaphore_mem>>
          %dma_start3A_50 = arith.constant 0 : i32
          %dma_start3A_51 = tpu.memref_slice %arg10[%scan3A_39, %dma_start3A_50] : memref<32x128xi32, #tpu.memory_space<vmem>> -> memref<1x128xi32, #tpu.memory_space<vmem>>
          %dma_start3A_52 = tpu.memref_squeeze %dma_start3A_51 : memref<1x128xi32, #tpu.memory_space<vmem>> -> memref<128xi32, #tpu.memory_space<vmem>>
          %dma_start3A_53 = arith.constant 0 : i32
          %dma_start3A_54 = arith.constant 0 : i32
          %dma_start3A_55 = tpu.memref_slice %arg8[%dma_start3A_53, %dma_start3A_54] : memref<10240x128xf32, #tpu.memory_space<vmem_shared>> -> memref<10240x128xf32, #tpu.memory_space<vmem_shared>>
          tpu.enqueue_indirect_dma source(%arg11 : memref<128x128xf32, #tpu.memory_space<vmem>>) target(%dma_start3A_55 : memref<10240x128xf32, #tpu.memory_space<vmem_shared>>) offsets(%dma_start3A_52 : memref<128xi32, #tpu.memory_space<vmem>>) semaphore(%run_scoped3A : memref<!tpu.dma_semaphore, #tpu.memory_space<semaphore_mem>>) {add = true}
          %dma_wait3A_56 = arith.constant 0 : i32
          %dma_wait3A_57 = tpu.memref_slice %arg10[%scan3A_39, %dma_wait3A_56] : memref<32x128xi32, #tpu.memory_space<vmem>> -> memref<1x128xi32, #tpu.memory_space<vmem>>
          %dma_wait3A_58 = tpu.memref_squeeze %dma_wait3A_57 : memref<1x128xi32, #tpu.memory_space<vmem>> -> memref<128xi32, #tpu.memory_space<vmem>>
          %dma_wait3A_59 = arith.constant 0 : i32
          %dma_wait3A_60 = arith.constant 0 : i32
          %dma_wait3A_61 = tpu.memref_slice %arg8[%dma_wait3A_59, %dma_wait3A_60] : memref<10240x128xf32, #tpu.memory_space<vmem_shared>> -> memref<10240x128xf32, #tpu.memory_space<vmem_shared>>
          tpu.wait_indirect_dma semaphore(%run_scoped3A : memref<!tpu.dma_semaphore, #tpu.memory_space<semaphore_mem>>) src(%arg11 : memref<128x128xf32, #tpu.memory_space<vmem>>) dst(%dma_wait3A_61 : memref<10240x128xf32, #tpu.memory_space<vmem_shared>>)
          tpu.yield
        }) : () -> ()
      }
      %scan3A_32 = arith.constant 32 : i32
      %scan3A_33 = arith.constant 0 : i32
      %scan3A_34 = arith.constant 0 : i32
      %scan3A_35 = arith.constant 256 : i32
      %scan3A_36 = arith.addi %scan3A_34, %scan3A_35 : i32
      %scan3A_37 = arith.constant 1 : i32
      scf.for %scan3A_39 = %scan3A_34 to %scan3A_36 step %scan3A_37  : i32 {
        %jit3A = arith.constant 8 : i32
        %div3A = arith.divsi %scan3A_39, %jit3A : i32
        %sign3A = arith.constant 0 : i32
        %sign3A_40 = arith.cmpi sgt, %scan3A_39, %sign3A : i32
        %sign3A_41 = arith.extui %sign3A_40 : i1 to i32
        %sign3A_42 = arith.constant 0 : i32
        %sign3A_43 = arith.cmpi slt, %scan3A_39, %sign3A_42 : i32
        %sign3A_44 = arith.extui %sign3A_43 : i1 to i32
        %sign3A_45 = arith.subi %sign3A_41, %sign3A_44 : i32
        %sign3A_46 = arith.constant 0 : i32
        %sign3A_47 = arith.cmpi sgt, %jit3A, %sign3A_46 : i32
        %sign3A_48 = arith.extui %sign3A_47 : i1 to i32
        %sign3A_49 = arith.constant 0 : i32
        %sign3A_50 = arith.cmpi slt, %jit3A, %sign3A_49 : i32
        %sign3A_51 = arith.extui %sign3A_50 : i1 to i32
        %sign3A_52 = arith.subi %sign3A_48, %sign3A_51 : i32
        %ne3A = arith.cmpi ne, %sign3A_45, %sign3A_52 : i32
        %rem3A = arith.remsi %scan3A_39, %jit3A : i32
        %ne3A_53 = arith.constant 0 : i32
        %ne3A_54 = arith.cmpi ne, %rem3A, %ne3A_53 : i32
        %and3A = arith.andi %ne3A, %ne3A_54 : i1
        %sub3A = arith.constant 1 : i32
        %sub3A_55 = arith.subi %div3A, %sub3A : i32
        %select_n3A = arith.select %and3A, %sub3A_55, %div3A : i32
        %jit3A_56 = arith.constant 8 : i32
        %eq3A = arith.constant 0 : i32
        %eq3A_57 = arith.cmpi eq, %jit3A_56, %eq3A : i32
        %jit3A_58 = arith.constant 1 : i32
        %select_n3A_59 = arith.select %eq3A_57, %jit3A_58, %jit3A_56 : i32
        %rem3A_60 = arith.remsi %scan3A_39, %select_n3A_59 : i32
        %ne3A_61 = arith.constant 0 : i32
        %ne3A_62 = arith.cmpi ne, %rem3A_60, %ne3A_61 : i32
        %lt3A = arith.constant 0 : i32
        %lt3A_63 = arith.cmpi slt, %rem3A_60, %lt3A : i32
        %lt3A_64 = arith.constant 0 : i32
        %lt3A_65 = arith.cmpi slt, %select_n3A_59, %lt3A_64 : i32
        %ne3A_66 = arith.xori %lt3A_63, %lt3A_65 : i1
        %and3A_67 = arith.andi %ne3A_66, %ne3A_62 : i1
        %add3A_68 = arith.addi %rem3A_60, %select_n3A_59 : i32
        %select_n3A_69 = arith.select %and3A_67, %add3A_68, %rem3A_60 : i32
        %mul3A_70 = arith.constant 16 : i32
        %mul3A_71 = arith.muli %select_n3A_69, %mul3A_70 : i32
        %get3A = arith.index_cast %select_n3A : i32 to index
        %get3A_72 = arith.index_cast %mul3A_71 : i32 to index
        %get3A_73 = tpu.vector_load %arg10[%get3A, %get3A_72] {strides = array<i32>} : memref<32x128xi32, #tpu.memory_space<vmem>>, vector<16xi32>,
        tpu.vector_store_idx %arg12[%get3A_73], %broadcast_in_dim3A_11 {add = true} : memref<10240xf32, #tpu.memory_space<vmem>>[vector<16xi32>], vector<16xf32>,
      }
      %scan3A_38 = arith.constant 256 : i32
    }
    %scan3A_17 = arith.constant 5 : i32
    %barrier3A_18 = arith.constant 0 : index
    tpu.barrier barrier_id(%barrier3A_18)
    "tpu.region"() ({
      %run_scoped3A = tpu.sem_alloc : memref<!tpu.dma_semaphore, #tpu.memory_space<semaphore_mem>>
      %dma_start3A = arith.constant 0 : i32
      %dma_start3A_22 = tpu.memref_slice %arg6[%arg0, %mul3A_0, %dma_start3A] : memref<2x10240x128xf32, #tpu.memory_space<hbm>> -> memref<1x640x128xf32, #tpu.memory_space<hbm>>
      %dma_start3A_23 = tpu.memref_squeeze %dma_start3A_22 : memref<1x640x128xf32, #tpu.memory_space<hbm>> -> memref<640x128xf32, #tpu.memory_space<hbm>>
      %dma_start3A_24 = arith.constant 0 : i32
      %dma_start3A_25 = tpu.memref_slice %arg8[%mul3A_0, %dma_start3A_24] : memref<10240x128xf32, #tpu.memory_space<vmem_shared>> -> memref<640x128xf32, #tpu.memory_space<vmem_shared>>
      tpu.enqueue_dma source(%dma_start3A_25 : memref<640x128xf32, #tpu.memory_space<vmem_shared>>) target(%dma_start3A_23 : memref<640x128xf32, #tpu.memory_space<hbm>>) target_semaphore(%run_scoped3A : memref<!tpu.dma_semaphore, #tpu.memory_space<semaphore_mem>>)
      %dma_wait3A = arith.constant 0 : i32
      %dma_wait3A_26 = tpu.memref_slice %arg6[%arg0, %mul3A_0, %dma_wait3A] : memref<2x10240x128xf32, #tpu.memory_space<hbm>> -> memref<1x640x128xf32, #tpu.memory_space<hbm>>
      %dma_wait3A_27 = tpu.memref_squeeze %dma_wait3A_26 : memref<1x640x128xf32, #tpu.memory_space<hbm>> -> memref<640x128xf32, #tpu.memory_space<hbm>>
      %dma_wait3A_28 = arith.constant 0 : i32
      %dma_wait3A_29 = tpu.memref_slice %arg8[%mul3A_0, %dma_wait3A_28] : memref<10240x128xf32, #tpu.memory_space<vmem_shared>> -> memref<640x128xf32, #tpu.memory_space<vmem_shared>>
      tpu.wait_dma2 semaphore(%run_scoped3A : memref<!tpu.dma_semaphore, #tpu.memory_space<semaphore_mem>>) src(%dma_wait3A_29 : memref<640x128xf32, #tpu.memory_space<vmem_shared>>) dst(%dma_wait3A_27 : memref<640x128xf32, #tpu.memory_space<hbm>>)
      tpu.yield
    }) : () -> ()
    %mul3A_19 = arith.constant 16 : i32
    %mul3A_20 = arith.muli %arg0, %mul3A_19 : i32
    %add3A_21 = arith.addi %mul3A_20, %arg1 : i32
    "tpu.region"() ({
      %run_scoped3A = tpu.sem_alloc : memref<!tpu.dma_semaphore, #tpu.memory_space<semaphore_mem>>
      %dma_start3A = arith.constant 0 : i32
      %dma_start3A_22 = tpu.memref_slice %arg7[%add3A_21, %dma_start3A] : memref<32x10240xf32, #tpu.memory_space<hbm>> -> memref<1x10240xf32, #tpu.memory_space<hbm>>
      %dma_start3A_23 = tpu.memref_squeeze %dma_start3A_22 : memref<1x10240xf32, #tpu.memory_space<hbm>> -> memref<10240xf32, #tpu.memory_space<hbm>>
      %dma_start3A_24 = arith.constant 0 : i32
      %dma_start3A_25 = tpu.memref_slice %arg7[%add3A_21, %dma_start3A_24] : memref<32x10240xf32, #tpu.memory_space<hbm>> -> memref<1x10240xf32, #tpu.memory_space<hbm>>
      %dma_start3A_26 = tpu.memref_squeeze %dma_start3A_25 : memref<1x10240xf32, #tpu.memory_space<hbm>> -> memref<10240xf32, #tpu.memory_space<hbm>>
      tpu.enqueue_dma source(%arg12 : memref<10240xf32, #tpu.memory_space<vmem>>) target(%dma_start3A_26 : memref<10240xf32, #tpu.memory_space<hbm>>) target_semaphore(%run_scoped3A : memref<!tpu.dma_semaphore, #tpu.memory_space<semaphore_mem>>)
      %dma_wait3A = arith.constant 0 : i32
      %dma_wait3A_27 = tpu.memref_slice %arg7[%add3A_21, %dma_wait3A] : memref<32x10240xf32, #tpu.memory_space<hbm>> -> memref<1x10240xf32, #tpu.memory_space<hbm>>
      %dma_wait3A_28 = tpu.memref_squeeze %dma_wait3A_27 : memref<1x10240xf32, #tpu.memory_space<hbm>> -> memref<10240xf32, #tpu.memory_space<hbm>>
      %dma_wait3A_29 = arith.constant 0 : i32
      %dma_wait3A_30 = tpu.memref_slice %arg7[%add3A_21, %dma_wait3A_29] : memref<32x10240xf32, #tpu.memory_space<hbm>> -> memref<1x10240xf32, #tpu.memory_space<hbm>>
      %dma_wait3A_31 = tpu.memref_squeeze %dma_wait3A_30 : memref<1x10240xf32, #tpu.memory_space<hbm>> -> memref<10240xf32, #tpu.memory_space<hbm>>
      tpu.wait_dma2 semaphore(%run_scoped3A : memref<!tpu.dma_semaphore, #tpu.memory_space<semaphore_mem>>) src(%arg12 : memref<10240xf32, #tpu.memory_space<vmem>>) dst(%dma_wait3A_31 : memref<10240xf32, #tpu.memory_space<hbm>>)
      tpu.yield
    }) : () -> ()
    return
  }
}

module attributes {stable_mosaic.version = 14 : i64} {
  func.func @_stage_a(%arg0: memref<10240x128xf32, #tpu.memory_space<vmem>>, %arg1: memref<128x128xf32, #tpu.memory_space<vmem>>, %arg2: memref<128x128xf32, #tpu.memory_space<vmem>>, %arg3: memref<10240x128xf32, #tpu.memory_space<vmem>>, %arg4: memref<10240x128xf32, #tpu.memory_space<vmem>>) attributes {dimension_semantics = [], scalar_prefetch = 0 : i64, scratch_operands = 0 : i64, tpu.core_type = #tpu.core_type<tc>} {
    %get3A = arith.constant 0 : index
    %get3A_0 = arith.constant 0 : index
    %get3A_1 = vector.load %arg0[%get3A, %get3A_0] : memref<10240x128xf32, #tpu.memory_space<vmem>>, vector<10240x128xf32>
    %get3A_2 = arith.constant 0 : index
    %get3A_3 = arith.constant 0 : index
    %get3A_4 = vector.load %arg1[%get3A_2, %get3A_3] : memref<128x128xf32, #tpu.memory_space<vmem>>, vector<128x128xf32>
    %transpose3A = tpu.transpose %get3A_4, [1, 0] : vector<128x128xf32> -> vector<128x128xf32>
    %dot_general3A = arith.constant dense<0.000000e+00> : vector<10240x128xf32>
    %dot_general3A_5 = tpu.matmul %get3A_1, %transpose3A, %dot_general3A {dimension_numbers = #tpu.dot_dimension_numbers<[1], [0], [0], [1], [0, 0, 1, 1], [], []>, precision = #tpu.contract_precision<fp32>, transpose_lhs_hint = false} : vector<10240x128xf32>, vector<128x128xf32>, vector<10240x128xf32> -> vector<10240x128xf32>
    %swap3A = arith.constant 0 : index
    %swap3A_6 = arith.constant 0 : index
    %swap3A_7 = vector.load %arg3[%swap3A, %swap3A_6] : memref<10240x128xf32, #tpu.memory_space<vmem>>, vector<10240x128xf32>
    tpu.vector_store %arg3[%swap3A, %swap3A_6], %dot_general3A_5 {strides = array<i32>} : memref<10240x128xf32, #tpu.memory_space<vmem>>, vector<10240x128xf32>,
    %get3A_8 = arith.constant 0 : index
    %get3A_9 = arith.constant 0 : index
    %get3A_10 = vector.load %arg2[%get3A_8, %get3A_9] : memref<128x128xf32, #tpu.memory_space<vmem>>, vector<128x128xf32>
    %transpose3A_11 = tpu.transpose %get3A_10, [1, 0] : vector<128x128xf32> -> vector<128x128xf32>
    %dot_general3A_12 = arith.constant dense<0.000000e+00> : vector<10240x128xf32>
    %dot_general3A_13 = tpu.matmul %get3A_1, %transpose3A_11, %dot_general3A_12 {dimension_numbers = #tpu.dot_dimension_numbers<[1], [0], [0], [1], [0, 0, 1, 1], [], []>, precision = #tpu.contract_precision<fp32>, transpose_lhs_hint = false} : vector<10240x128xf32>, vector<128x128xf32>, vector<10240x128xf32> -> vector<10240x128xf32>
    %swap3A_14 = arith.constant 0 : index
    %swap3A_15 = arith.constant 0 : index
    %swap3A_16 = vector.load %arg4[%swap3A_14, %swap3A_15] : memref<10240x128xf32, #tpu.memory_space<vmem>>, vector<10240x128xf32>
    tpu.vector_store %arg4[%swap3A_14, %swap3A_15], %dot_general3A_13 {strides = array<i32>} : memref<10240x128xf32, #tpu.memory_space<vmem>>, vector<10240x128xf32>,
    return
  }
}

module attributes {stable_mosaic.version = 14 : i64} {
  func.func @_stage_c(%arg0: memref<2x10240x128xf32, #tpu.memory_space<vmem>>, %arg1: memref<32x10240xf32, #tpu.memory_space<vmem>>, %arg2: memref<10240x128xf32, #tpu.memory_space<vmem>>, %arg3: memref<64xf32, #tpu.memory_space<vmem>>, %arg4: memref<64xf32, #tpu.memory_space<vmem>>, %arg5: memref<128xf32, #tpu.memory_space<vmem>>, %arg6: memref<128xf32, #tpu.memory_space<vmem>>, %arg7: memref<10000x128xf32, #tpu.memory_space<vmem>>) attributes {dimension_semantics = [], scalar_prefetch = 0 : i64, scratch_operands = 0 : i64, tpu.core_type = #tpu.core_type<tc>} {
    %get3A = arith.constant 0 : index
    %get3A_0 = arith.constant 0 : index
    %get3A_1 = arith.constant 0 : index
    %get3A_2 = vector.load %arg0[%get3A, %get3A_0, %get3A_1] : memref<2x10240x128xf32, #tpu.memory_space<vmem>>, vector<1x10000x64xf32>
    %get3A_3 = vector.shape_cast %get3A_2 : vector<1x10000x64xf32> to vector<10000x64xf32>
    %get3A_4 = arith.constant 1 : index
    %get3A_5 = arith.constant 0 : index
    %get3A_6 = arith.constant 64 : index
    %get3A_7 = vector.load %arg0[%get3A_4, %get3A_5, %get3A_6] : memref<2x10240x128xf32, #tpu.memory_space<vmem>>, vector<1x10000x64xf32>
    %get3A_8 = vector.shape_cast %get3A_7 : vector<1x10000x64xf32> to vector<10000x64xf32>
    %get3A_9 = arith.constant 0 : index
    %get3A_10 = arith.constant 0 : index
    %get3A_11 = vector.load %arg1[%get3A_9, %get3A_10] : memref<32x10240xf32, #tpu.memory_space<vmem>>, vector<16x10000xf32>
    %reduce_sum3A = arith.constant dense<0.000000e+00> : vector<10000xf32>
    %reduce_sum3A_12 = vector.multi_reduction <add>, %get3A_11, %reduce_sum3A [0] : vector<16x10000xf32> to vector<10000xf32>
    %get3A_13 = arith.constant 16 : index
    %get3A_14 = arith.constant 0 : index
    %get3A_15 = vector.load %arg1[%get3A_13, %get3A_14] : memref<32x10240xf32, #tpu.memory_space<vmem>>, vector<16x10000xf32>
    %reduce_sum3A_16 = arith.constant dense<0.000000e+00> : vector<10000xf32>
    %reduce_sum3A_17 = vector.multi_reduction <add>, %get3A_15, %reduce_sum3A_16 [0] : vector<16x10000xf32> to vector<10000xf32>
    %max3A = arith.constant 1.000000e+00 : f32
    %max3A_18 = vector.broadcast %max3A : f32 to vector<10000xf32>
    %max3A_19 = arith.maximumf %reduce_sum3A_12, %max3A_18 : vector<10000xf32>
    %broadcast_in_dim3A = vector.shape_cast %max3A_19 : vector<10000xf32> to vector<10000x1xf32>
    %div3A = vector.broadcast %broadcast_in_dim3A : vector<10000x1xf32> to vector<10000x64xf32>
    %div3A_20 = arith.divf %get3A_3, %div3A : vector<10000x64xf32>
    %get3A_21 = arith.constant 0 : index
    %get3A_22 = vector.load %arg3[%get3A_21] : memref<64xf32, #tpu.memory_space<vmem>>, vector<64xf32>
    %broadcast_in_dim3A_23 = vector.shape_cast %get3A_22 : vector<64xf32> to vector<1x64xf32>
    %add3A = vector.broadcast %broadcast_in_dim3A_23 : vector<1x64xf32> to vector<10000x64xf32>
    %add3A_24 = arith.addf %div3A_20, %add3A : vector<10000x64xf32>
    %get3A_25 = arith.constant 0 : index
    %get3A_26 = arith.constant 0 : index
    %get3A_27 = vector.load %arg2[%get3A_25, %get3A_26] : memref<10240x128xf32, #tpu.memory_space<vmem>>, vector<10000x64xf32>
    %add3A_28 = arith.addf %add3A_24, %get3A_27 : vector<10000x64xf32>
    %max3A_29 = arith.constant 1.000000e+00 : f32
    %max3A_30 = vector.broadcast %max3A_29 : f32 to vector<10000xf32>
    %max3A_31 = arith.maximumf %reduce_sum3A_17, %max3A_30 : vector<10000xf32>
    %broadcast_in_dim3A_32 = vector.shape_cast %max3A_31 : vector<10000xf32> to vector<10000x1xf32>
    %div3A_33 = vector.broadcast %broadcast_in_dim3A_32 : vector<10000x1xf32> to vector<10000x64xf32>
    %div3A_34 = arith.divf %get3A_8, %div3A_33 : vector<10000x64xf32>
    %get3A_35 = arith.constant 0 : index
    %get3A_36 = vector.load %arg4[%get3A_35] : memref<64xf32, #tpu.memory_space<vmem>>, vector<64xf32>
    %broadcast_in_dim3A_37 = vector.shape_cast %get3A_36 : vector<64xf32> to vector<1x64xf32>
    %add3A_38 = vector.broadcast %broadcast_in_dim3A_37 : vector<1x64xf32> to vector<10000x64xf32>
    %add3A_39 = arith.addf %div3A_34, %add3A_38 : vector<10000x64xf32>
    %get3A_40 = arith.constant 0 : index
    %get3A_41 = arith.constant 64 : index
    %get3A_42 = vector.load %arg2[%get3A_40, %get3A_41] : memref<10240x128xf32, #tpu.memory_space<vmem>>, vector<10000x64xf32>
    %add3A_43 = arith.addf %add3A_39, %get3A_42 : vector<10000x64xf32>
    %concatenate3A = tpu.concatenate %add3A_28, %add3A_43 in 1 : vector<10000x64xf32>, vector<10000x64xf32> -> vector<10000x128xf32>
    %reduce_sum3A_44 = arith.constant dense<0.000000e+00> : vector<128xf32>
    %reduce_sum3A_45 = vector.multi_reduction <add>, %concatenate3A, %reduce_sum3A_44 [0] : vector<10000x128xf32> to vector<128xf32>
    %broadcast_in_dim3A_46 = vector.shape_cast %reduce_sum3A_45 : vector<128xf32> to vector<1x128xf32>
    %div3A_47 = arith.constant 1.000000e+04 : f32
    %div3A_48 = vector.broadcast %div3A_47 : f32 to vector<1x128xf32>
    %div3A_49 = arith.divf %broadcast_in_dim3A_46, %div3A_48 : vector<1x128xf32>
    %sub3A = vector.broadcast %div3A_49 : vector<1x128xf32> to vector<10000x128xf32>
    %sub3A_50 = arith.subf %concatenate3A, %sub3A : vector<10000x128xf32>
    %integer_pow3A = arith.mulf %sub3A_50, %sub3A_50 : vector<10000x128xf32>
    %reduce_sum3A_51 = arith.constant dense<0.000000e+00> : vector<128xf32>
    %reduce_sum3A_52 = vector.multi_reduction <add>, %integer_pow3A, %reduce_sum3A_51 [0] : vector<10000x128xf32> to vector<128xf32>
    %broadcast_in_dim3A_53 = vector.shape_cast %reduce_sum3A_52 : vector<128xf32> to vector<1x128xf32>
    %div3A_54 = arith.constant 1.000000e+04 : f32
    %div3A_55 = vector.broadcast %div3A_54 : f32 to vector<1x128xf32>
    %div3A_56 = arith.divf %broadcast_in_dim3A_53, %div3A_55 : vector<1x128xf32>
    %sub3A_57 = vector.broadcast %div3A_49 : vector<1x128xf32> to vector<10000x128xf32>
    %sub3A_58 = arith.subf %concatenate3A, %sub3A_57 : vector<10000x128xf32>
    %add3A_59 = arith.constant 9.99999974E-6 : f32
    %add3A_60 = vector.broadcast %add3A_59 : f32 to vector<1x128xf32>
    %add3A_61 = arith.addf %div3A_56, %add3A_60 : vector<1x128xf32>
    %sqrt3A = math.sqrt %add3A_61 : vector<1x128xf32>
    %div3A_62 = vector.broadcast %sqrt3A : vector<1x128xf32> to vector<10000x128xf32>
    %div3A_63 = arith.divf %sub3A_58, %div3A_62 : vector<10000x128xf32>
    %get3A_64 = arith.constant 0 : index
    %get3A_65 = vector.load %arg5[%get3A_64] : memref<128xf32, #tpu.memory_space<vmem>>, vector<128xf32>
    %broadcast_in_dim3A_66 = vector.shape_cast %get3A_65 : vector<128xf32> to vector<1x128xf32>
    %mul3A = vector.broadcast %broadcast_in_dim3A_66 : vector<1x128xf32> to vector<10000x128xf32>
    %mul3A_67 = arith.mulf %div3A_63, %mul3A : vector<10000x128xf32>
    %get3A_68 = arith.constant 0 : index
    %get3A_69 = vector.load %arg6[%get3A_68] : memref<128xf32, #tpu.memory_space<vmem>>, vector<128xf32>
    %broadcast_in_dim3A_70 = vector.shape_cast %get3A_69 : vector<128xf32> to vector<1x128xf32>
    %add3A_71 = vector.broadcast %broadcast_in_dim3A_70 : vector<1x128xf32> to vector<10000x128xf32>
    %add3A_72 = arith.addf %mul3A_67, %add3A_71 : vector<10000x128xf32>
    %max3A_73 = arith.constant 0.000000e+00 : f32
    %max3A_74 = vector.broadcast %max3A_73 : f32 to vector<10000x128xf32>
    %max3A_75 = arith.maximumf %add3A_72, %max3A_74 : vector<10000x128xf32>
    %swap3A = arith.constant 0 : index
    %swap3A_76 = arith.constant 0 : index
    %swap3A_77 = vector.load %arg7[%swap3A, %swap3A_76] : memref<10000x128xf32, #tpu.memory_space<vmem>>, vector<10000x128xf32>
    tpu.vector_store %arg7[%swap3A, %swap3A_76], %max3A_75 {strides = array<i32>} : memref<10000x128xf32, #tpu.memory_space<vmem>>, vector<10000x128xf32>,
    return
  }
}

</mosaic_0001>

<sc_bundles>
// kernel: kernel.5.cloned.1.call-start
scs
__scs_entry_jumppad:
0x0: {  	(pc) =	sbr.rel $0x88, $3  }
0x1: {  	(tag) =	ssettag $0x0;
	lr =	simm.s32 $0x1  }
0x2: {  	[smem:$0x3F97] =	sst lr;
	_ =	strace $0xD0000000  }
0x3: {  	_ = 	snop  }
0x4: {  	_ = 	snop  }
0x5: {  	_ = 	snop  }
0x6: {  	_ = 	snop  }
0x7: {  	_ = 	snop  }
__scs_overlays_trampoline_lowered:
0x8: {  	[smem:$0x3FA6] =	sst s0  }
0x9: {  	[smem:$0x3FA7] =	sst s1  }
0xa: {  	[smem:$0x3FA8] =	sst s2  }
0xb: {  	[smem:$0x3FA9] =	sst s3  }
0xc: {  	[smem:$0x3FAA] =	sst s4  }
0xd: {  	[smem:$0x3FAB] =	sst s5  }
0xe: {  	[smem:$0x3FAC] =	sst s6  }
0xf: {  	[smem:$0x3FAD] =	sst s7  }
0x10: {  	[smem:$0x3FAE] =	sst s8  }
0x11: {  	[smem:$0x3FAF] =	sst s9;
	s0 =	simm.s32 @!p0 $0x0  }
0x12: {  	s1 =	sld [smem:$0x3F95];
	s0 =	simm.s32 @p0 $0x1  }
0x13: {  	[smem:$0x3FB0] =	sst s0;
	s0 =	simm.s32 @!p1 $0x0  }
0x14: {  	s2 =	sld [smem:$0x3F94];
	s0 =	simm.s32 @p1 $0x1  }
0x15: {  	[smem:$0x3FB1] =	sst s0;
	s0 =	simm.s32 @!p2 $0x0  }
0x16: {  	s3 =	sld [smem:$0x3FDB];
	s0 =	simm.s32 @p2 $0x1  }
0x17: {  	s4 =	simm.s32 $0x1BF5;
	[smem:$0x3FB3] =	sst s0  }
0x18: {  	s0 =	sld [smem:$0x3F96];
	_ =	swait.ge [sflag:s4], $0x0  }
0x19: {  	s7 =	sld [smem:$0x3F97]  }
0x1a: {  	s8 =	sadd.s32 $0xFFFFE003, lr  }
0x1b: {  	s9 =	sadd.s32 $0xFFFFFEF7, lr;
	s5 =	simm.s32 $0xFFFFFFFF;
	p2 =	slt.u32 s8, $0xFFFFF086  }
0x1c: {  	p1 =	slt.u32 s9, $0xF7A;
	s5 =	simm.s32 @!p2 $0x0  }
0x1d: {  	s5 =	simm.s32 @p1 $0x1;
	p0 =	seq.s32 s7, s2  }
0x1e: {  	s7 =	smul.u32 @!p0 $0xF7A, s2;
	p2 =	seq.s32 @!p0 s5, $0x0  }
0x1f: {  	s9 =	smul.u32 $0xF7A, s1;
	s8 =	simm.s32 @!p0 $0x1BF5;
	p2 =	por !p2, p0  }
0x20: {  	[sflag:s8] =	ssyncset.s32 @!p0 $0xFFFFF086;
	s6 =	sadd.s32 @!p0 s3, s7;
	s7 =	simm.s32 @!p0 $0x108  }
0x21: {  	s3 =	sadd.s32 s3, s9;
	s6 =	sadd.s32 @!p0 $0x88, s6;
	s7 =	simm.s32 @p2 $0x1082  }
0x22: {  	[simem:s7], [sflag:s8] =	dma.local @!p0 [hbm:s6], $0xF7A  }
0x23: {  	s9 =	sor.u32 $0xD0000000, s2;
	s6 =	simm.s32 $0x108;
	_ =	swait.ge @!p0 [sflag:s8], $0x0  }
0x24: {  	s3 =	sadd.s32 $0x88, s3;
	s6 =	simm.s32 @!p1 $0x1082;
	[sflag:s4] =	ssyncset.s32 $0xFFFFF086  }
0x25: {  	[simem:s6], [sflag:s4] =	dma.local [hbm:s3], $0xF7A  }
0x26: {  	[smem:$0x3F97] =	sst s1;
	(tag) =	ssettag s2;
	_ =	strace s9  }
0x27: {  	s1 =	sld [smem:$0x3FA7]  }
0x28: {  	s2 =	sld [smem:$0x3FA8]  }
0x29: {  	s4 =	sld [smem:$0x3FAA]  }
0x2a: {  	p0 =	seq.s32 s5, $0x0;
	s5 =	sld [smem:$0x3FAB]  }
0x2b: {  	s6 =	sld [smem:$0x3FAC]  }
0x2c: {  	s7 =	sld [smem:$0x3FAD]  }
0x2d: {  	s3 =	simm.s32 $0x108;
	s8 =	sld [smem:$0x3FAE]  }
0x2e: {  	s3 =	simm.s32 @!p0 $0x1082;
	s9 =	sld [smem:$0x3FAF]  }
0x2f: {  	lr =	sadd.s32 s0, s3;
	s0 =	sld [smem:$0x3FA6]  }
0x30: {  	s3 =	sld [smem:$0x3FA9]  }
0x31: {  	[smem:$0x3FB2] =	sst s10  }
0x32: {  	s10 =	sld [smem:$0x3FB0];
	_ =	sdelay $0x3  }
0x33: {  	p0 =	seq.s32 s10, $0x1;
	s10 =	sld [smem:$0x3FB2];
	_ =	sdelay $0x3  }
0x34: {  	[smem:$0x3FB2] =	sst s10  }
0x35: {  	s10 =	sld [smem:$0x3FB1];
	_ =	sdelay $0x3  }
0x36: {  	p1 =	seq.s32 s10, $0x1;
	s10 =	sld [smem:$0x3FB2];
	_ =	sdelay $0x3  }
0x37: {  	[smem:$0x3FB2] =	sst s10  }
0x38: {  	s10 =	sld [smem:$0x3FB3]  }
0x39: {  	_ = 	snop;
	(pc) =	sbr.ind lr, $3  }
0x3a: {  	_ = 	snop  }
0x3b: {  	_ = 	snop  }
0x3c: {  	p2 =	seq.s32 s10, $0x1;
	s10 =	sld [smem:$0x3FB2]  }
0x3d: {  	_ =	shalt  }
0x3e: {  	_ =	shalt  }
0x3f: {  	_ =	shalt  }
0x40: {  	_ =	shalt  }
0x41: {  	_ =	shalt  }
0x42: {  	_ =	shalt  }
0x43: {  	_ =	shalt  }
0x44: {  	_ =	shalt  }
0x45: {  	_ =	shalt  }
0x46: {  	_ =	shalt  }
0x47: {  	_ =	shalt  }
0x48: {  	_ =	shalt  }
0x49: {  	_ =	shalt  }
0x4a: {  	_ =	shalt  }
0x4b: {  	_ =	shalt  }
0x4c: {  	_ =	shalt  }
0x4d: {  	_ =	shalt  }
0x4e: {  	_ =	shalt  }
0x4f: {  	_ =	shalt  }
0x50: {  	_ =	shalt  }
0x51: {  	_ =	shalt  }
0x52: {  	_ =	shalt  }
0x53: {  	_ =	shalt  }
0x54: {  	_ =	shalt  }
0x55: {  	_ =	shalt  }
0x56: {  	_ =	shalt  }
0x57: {  	_ =	shalt  }
0x58: {  	_ =	shalt  }
0x59: {  	_ =	shalt  }
0x5a: {  	_ =	shalt  }
0x5b: {  	_ =	shalt  }
0x5c: {  	_ =	shalt  }
0x5d: {  	_ =	shalt  }
0x5e: {  	_ =	shalt  }
0x5f: {  	_ =	shalt  }
0x60: {  	_ =	shalt  }
0x61: {  	_ =	shalt  }
0x62: {  	_ =	shalt  }
0x63: {  	_ =	shalt  }
0x64: {  	_ =	shalt  }
0x65: {  	_ =	shalt  }
0x66: {  	_ =	shalt  }
0x67: {  	_ =	shalt  }
0x68: {  	_ =	shalt  }
0x69: {  	_ =	shalt  }
0x6a: {  	_ =	shalt  }
0x6b: {  	_ =	shalt  }
0x6c: {  	_ =	shalt  }
0x6d: {  	_ =	shalt  }
0x6e: {  	_ =	shalt  }
0x6f: {  	_ =	shalt  }
0x70: {  	_ =	shalt  }
0x71: {  	_ =	shalt  }
0x72: {  	_ =	shalt  }
0x73: {  	_ =	shalt  }
0x74: {  	_ =	shalt  }
0x75: {  	_ =	shalt  }
0x76: {  	_ =	shalt  }
0x77: {  	_ =	shalt  }
0x78: {  	_ =	shalt  }
0x79: {  	_ =	shalt  }
0x7a: {  	_ =	shalt  }
0x7b: {  	_ =	shalt  }
0x7c: {  	_ =	shalt  }
0x7d: {  	_ =	shalt  }
0x7e: {  	_ =	shalt  }
0x7f: {  	_ =	shalt  }
0x80: {  	_ =	shalt  }
0x81: {  	_ =	shalt  }
0x82: {  	_ =	shalt  }
0x83: {  	_ =	shalt  }
0x84: {  	_ =	shalt  }
0x85: {  	_ =	shalt  }
0x86: {  	_ =	shalt  }
0x87: {  	_ =	shalt  }
.Lfunc_end0:
.L_simem_size_0:
called_computation_lowered:
.L_overlay_start_0:
0x88: {  	s2 =	sld [smem:$0x3FD9]  }
0x89: {  	s3 =	sld [smem:$0x3FFE];
	_ =	sdelay $0x1  }
0x8a: {  	s1 =	srdreg.scid  }
0x8b: {  	s0 =	sand.u32 $0x1, s1  }
0x8c: {  	s17 =	sshll.u32 s0, $0xA;
	s2 =	sadd.s32 s3, s2  }
0x8d: {  	s2 =	sadd.s32 s2, s17  }
0x8e: {  	[smem:$0x3FBE] =	sst s2  }
0x8f: {  	_ = 	snop  }
0x90: {  	s2 =	sld [smem:$0x3FD0];
	(tm) =	ssettm $0x1  }
0x91: {  	s18 =	sld [smem:$0x3FFB];
	_ =	sdelay $0x3  }
0x92: {  	_ =	strace s18  }
0x93: {  	s3 =	sld [smem:$0x3FFC];
	_ =	sdelay $0x3  }
0x94: {  	_ =	strace s3  }
0x95: {  	s3 =	sld [smem:$0x3FFD];
	_ =	sdelay $0x3  }
0x96: {  	_ =	strace s3  }
0x97: {  	_ =	strace $0x8FFFFFFF  }
0x98: {  	s19 =	sld [smem:$0x3FDB];
	_ =	sdelay $0x1  }
0x99: {  	s4 =	simm.s32 $_scs_section_size  }
0x9a: {  	s5 =	simm.s32 $_size__tile_overlayer_lowered;
	s6 =	simm.s32 $_tile_overlayer_lowered  }
0x9b: {  	s22 =	simm.s32 $0x1BFF;
	s21 =	sshll.u32 s6, $0x1;
	s3 =	sadd.s32 s4, s19  }
0x9c: {  	s7 =	simm.s32 $0x0;
	s20 =	sshll.u32 s5, $0x1;
	s5 =	sadd.s32 s21, s3  }
0x9d: {  	[timem:s7], [sflag:s22] =	dma.local [hbm:s5], s20  }
0x9e: {  	_ =	swait.ge [sflag:s22], s20  }
0x9f: {  	s4 =	ssub.s32 $0x0, s20;
	[sflag:s22] =	ssyncset.done $0x0  }
0xa0: {  	[sflag:s22] =	ssyncadd.s32 s4;
	_ =	sdelay $0x1  }
0xa1: {  	s23 =	simm.s32 $0x1B8B  }
0xa2: {  	_ =	swait.ge [sflag:s23], $0x1  }
0xa3: {  	[sflag:s23] =	ssyncset.done $0x0  }
0xa4: {  	s25 =	simm.s32 $0x1B8E;
	s24 =	sld [smem:$0x3FFE];
	[sflag:s23] =	ssyncadd.s32 $0xFFFFFFFF  }
0xa5: {  	s26 =	simm.s32 $execute0_lowered;
	[smem:$0x3FD2] =	sst s25  }
0xa6: {  	s5 =	sshll.u32 s26, $0x1;
	_ =	strace $0x80000046;
	[dreg:$0x1] =	wrdreg $0xFFFFFFFF  }
0xa7: {  	s28 =	simm.s32 $_size_execute0_lowered;
	s3 =	sadd.s32 s3, s5;
	[dreg:$0x0] =	wrdreg $0x0  }
0xa8: {  	s5 =	sshll.u32 s28, $0x1;
	[dreg:$0x2] =	wrdreg s3  }
0xa9: {  	[dreg:$0x3] =	wrdreg s5  }
0xaa: {  	[dreg:$0x4] =	wrdreg $0xC0  }
0xab: {  	_ =	task [dreg:s7], $0x5FFFF  }
0xac: {  	[dreg:$0x1] =	wrdreg $0xFFFFFFFF  }
0xad: {  	[dreg:$0x0] =	wrdreg $0x60  }
0xae: {  	[dreg:$0x2] =	wrdreg s24  }
0xaf: {  	[dreg:$0x3] =	wrdreg s2  }
0xb0: {  	[dreg:$0x4] =	wrdreg $0x0  }
0xb1: {  	[dreg:$0x5] =	wrdreg $0x9  }
0xb2: {  	_ =	task.clear_ibuf [dreg:s7], $0x6FFFF;
	_ =	strace $0x90000046  }
0xb3: {  	s29 =	simm.s32 $0x9;
	_ =	strace $0x80000048  }
0xb4: {  	_ =	swait.ge [sflag:s29], $0x1  }
0xb5: {  	[sflag:s29] =	ssyncadd.s32 $0xFFFFFFFF  }
0xb6: {  	_ =	strace $0x90000048  }
0xb7: {  	_ =	sfence  }
0xb8: {  	s30 =	sld [smem:$0x0];
	_ =	sdelay $0x2  }
0xb9: {  	s31 =	sshll.u32 s1, $0xD;
	s1 =	sshrl.u32 s1, $0x2  }
0xba: {  	s3 =	sand.u32 $0x4000, s31;
	s1 =	sadd.s32 s1, s30  }
0xbb: {  	s0 =	sor.u32 s3, s0;
	s1 =	sshll.u32 s1, $0x11  }
0xbc: {  	s0 =	sor.u32 s1, s0  }
0xbd: {  	s0 =	sadd.s32 $0x8F2B, s0  }
0xbe: {  	[sflag:s0] =	ssyncadd.remote.s32 $0x1  }
0xbf: {  	_ =	sfence.sel $0xFFFF  }
0xc0: {  	[dreg:$0x0] =	wrdreg $0xFFFFFFFF;
	(pc) =	sbr.abs _section_cstart, $3  }
0xc1: {  	[dreg:$0x1] =	wrdreg $0xFFFFFFFF  }
0xc2: {  	_ =	task.clear_ibuf [dreg:s7], $0x2FFFF;
	_ =	strace $0x9FFFFFFF  }
0xc3: {  	(tm) =	ssettm $0x7FFFFFFF  }
tec
execute0_lowered:
.L_overlay_start_1:
0x0: {  	(tag) =	ssettag $0x1  }
0x1: {  	s8 =	rddreg [dreg:$0x0]  }
0x2: {  	s1 =	rddreg [dreg:$0x1]  }
0x3: {  	s2 =	rddreg [dreg:$0x2];
	s3 =	srdreg.scid  }
0x4: {  	s0 =	rddreg [dreg:$0x3];
	s4 =	simm.s32 $0x0;
	s19 =	simm.s32 $0x16000  }
0x5: {  	s20 =	simm.s32 $0x1;
	s21 =	simm.s32 $0x1A000;
	s9 =	sand.u32 $0x1, s3  }
0x6: {  	s22 =	simm.s32 $0x400;
	s3 =	stileid.u32;
	s6 =	smul.u32 $0x140000, s9  }
0x7: {  	[smem:$0x7FF] =	sst s4;
	s5 =	sshll.u32 s9, $0x4;
	s7 =	smul.u32 $0x14000, s3  }
0x8: {  	_ =	strace $0x80000047;
	s11 =	sshll.u32 s3, $0x7;
	s13 =	smul.u32 $0x50000, s3  }
0x9: {  	s28 =	ssub.s32 $0x2, s9;
	s9 =	smul.u32 $0x50000, s9;
	s31 =	sshll.u32 s3, $0x6  }
0xa: {  	s15 =	smul.u32 $0x5000, s3;
	s10 =	sor.u32 s3, s5;
	s5 =	sadd.s32 $0x16400, s8  }
0xb: {  	s11 =	sand.u32 $0x380, s11;
	s29 =	sshrl.u32 s28, $0x1;
	s10 =	sshrl.u32 s10, $0x3  }
0xc: {  	s7 =	sadd.s32 s7, s6;
	s6 =	sadd.s32 $0x2400, s8;
	s30 =	sshrl.u32 s13, $0x2  }
0xd: {  	s16 =	ssub.s32 s28, s29;
	s9 =	sadd.s32 s15, s9;
	s10 =	smul.u32 $0x14000, s10  }
0xe: {  	s12 =	sshrl.u32 s7, $0x3;
	s7 =	sadd.s32 $0x3E400, s8;
	s17 =	sadd.s32 s30, s2  }
0xf: {  	s12 =	sadd.s32 s12, s8;
	s18 =	sadd.s32 $0xA000, s17;
	s10 =	sor.u32 s11, s10  }
0x10: {  	s13 =	sshrl.u32 s17, $0x3;
	s17 =	simm.s32 $0x15000;
	s10 =	sshrl.u32 s10, $0x3  }
0x11: {  	s15 =	sshrl.u32 s18, $0x3;
	s18 =	simm.s32 $0x80;
	s14 =	sadd.s32 s10, s8  }
0x12: {  	s8 =	sor.u32 $0x1C02, s31;
	s10 =	sadd.s32 $0x3F800, s12;
	s12 =	smax.u32 s16, $0x1  }
0x13: {  	v0 =	vimm.f32 $0.0e+00;
	v1 =	vimm.f32 $1.000000000e+00;
	s16 =	simm.s32 $0x14000;
	s11 =	sadd.s32 $0x8F800, s14;
	s14 =	simm.s32 $0x2  }
.LBB2_1:
0x14: {  	[spmem:s13], [sflag:s8] =	dma.local [hbm:s7], $0x1400  }
0x15: {  	_ =	swait.ge [sflag:s14], $0x1400  }
0x16: {  	[sflag:s14] =	ssyncset.done $0x0  }
0x17: {  	[sflag:s14] =	ssyncadd.s32 $0xFFFFEC00  }
0x18: {  	[spmem:s15], [sflag:s8] =	dma.local [hbm:s7], $0x1400  }
0x19: {  	_ =	swait.ge [sflag:s14], $0x1400  }
0x1a: {  	[sflag:s14] =	ssyncset.done $0x0  }
0x1b: {  	s23 =	simm.s32 $0x40;
	s24 =	simm.s32 $0x0;
	[sflag:s14] =	ssyncadd.s32 $0xFFFFEC00  }
.LBB2_2:
0x1c: {  	p0 =	sne.s32 s23, $0x9FC0;
	[tilespmem:s24+$0x1A000] =	vst v0;
	s24 =	smov.u32 s23;
	s23 =	sadd.s32 $0x40, s23  }
.Ltmp0:
0x1d: {  	(pc) =	sbr.rel @p0 .LBB2_2-.Ltmp0, $2  }
0x1e: {  	_ =	sdelay $0x2  }
0x1f: {  	s24 =	sshra.s32 s24, $0x2  }
0x20: {  	[tilespmem:s24+$0x1A000] =	vst v0  }
0x21: {  	s23 =	simm.s32 $0x0;
	s24 =	simm.s32 $0x0;
	[bflag:$0x0] =	sbarrier.arrive $0xFFFF  }
.LBB2_4:
0x22: {  	s25 =	sshll.u32 s24, $0xC  }
0x23: {  	s25 =	sadd.s32 s25, s9  }
0x24: {  	s25 =	sshrl.u32 s25, $0x3  }
0x25: {  	s26 =	sadd.s32 s6, s25  }
0x26: {  	[tilespmem:s16], [sflag:$0x2] =	stream.linear.gather [hbm4b:s26+s23], $0x1000, $0x38;
	[tilespmem:$0x1C800] =	vst v63  }
0x27: {  	_ =	swait.ge [sflag:s14], $0x1000  }
0x28: {  	[sflag:s14] =	ssyncset.done $0x0  }
0x29: {  	s25 =	sadd.s32 s1, s25;
	[sflag:s14] =	ssyncadd.s32 $0xFFFFF000  }
0x2a: {  	[tilespmem:s17], [sflag:$0x2] =	stream.linear.gather [hbm4b:s25+s23], $0x1000, $0x38;
	[tilespmem:$0x1C800] =	vst v63  }
0x2b: {  	_ =	swait.ge [sflag:s14], $0x1000  }
0x2c: {  	[sflag:s14] =	ssyncset.done $0x0  }
0x2d: {  	s30 =	simm.s32 $0x14000;
	[sflag:s14] =	ssyncadd.s32 $0xFFFFF000  }
0x2e: {  	[tilespmem:s19], [sflag:$0x1] =	stream.indirect.gather [hbm4b:s5+s18], $0x80, s30, s18, $0xb8;
	[tilespmem:$0x1C800] =	vst v63  }
0x2f: {  	_ =	swait.ge [sflag:s20], $0x4000  }
0x30: {  	[sflag:s20] =	ssyncset.done $0x0  }
0x31: {  	s31 =	simm.s32 $0x15000;
	[sflag:s20] =	ssyncadd.s32 $0xFFFFC000  }
0x32: {  	[spmem:s2] =	stream.indirect.scatter.add.f32 [tilespmem:s19], [sflag:$0x2], $0x80, s31, s18, $0xb8;
	[tilespmem:$0x1C800] =	vst v63  }
0x33: {  	_ =	swait.ge [sflag:s14], $0x4000  }
0x34: {  	s26 =	simm.s32 $0x400;
	s25 =	simm.s32 $0x80;
	[sflag:s14] =	ssyncset.done $0x0  }
.LBB2_5:
0x35: {  	s28 =	sadd.s32 $0x14000, s25  }
0x36: {  	[sflag:s14] =	ssyncadd.s32 $0xFFFFC000;
	s29 =	smov.u32 s26;
	s30 =	sadd.s32 $0x200, s26  }
0x37: {  	[tilespmem:s19], [sflag:$0x1] =	stream.indirect.gather [hbm4b:s5+s18], $0x80, s28, s18, $0xb8;
	[tilespmem:$0x1C800] =	vst v63  }
0x38: {  	p0 =	sne.s32 s26, $0x3E00;
	_ =	swait.ge [sflag:s20], $0x4000  }
.Ltmp1:
0x39: {  	[sflag:s20] =	ssyncset.done $0x0;
	(pc) =	sbr.rel @p0 .LBB2_5-.Ltmp1, $4  }
0x3a: {  	s25 =	sadd.s32 $0x15000, s25;
	[sflag:s20] =	ssyncadd.s32 $0xFFFFC000  }
0x3b: {  	[spmem:s2] =	stream.indirect.scatter.add.f32 [tilespmem:s19], [sflag:$0x2], $0x80, s25, s18, $0xb8;
	[tilespmem:$0x1C800] =	vst v63  }
0x3c: {  	_ =	swait.ge [sflag:s14], $0x4000  }
0x3d: {  	s26 =	smov.u32 s30;
	s25 =	sshra.s32 s29, $0x2;
	[sflag:s14] =	ssyncset.done $0x0  }
0x3e: {  	s26 =	sadd.s32 $0x14000, s25;
	[sflag:s14] =	ssyncadd.s32 $0xFFFFC000  }
0x3f: {  	[tilespmem:s19], [sflag:$0x1] =	stream.indirect.gather [hbm4b:s5+s18], $0x80, s26, s18, $0xb8;
	[tilespmem:$0x1C800] =	vst v63  }
0x40: {  	_ =	swait.ge [sflag:s20], $0x4000  }
0x41: {  	[sflag:s20] =	ssyncset.done $0x0  }
0x42: {  	s29 =	sadd.s32 $0x15000, s25;
	s30 =	simm.s32 $0x0;
	[sflag:s20] =	ssyncadd.s32 $0xFFFFC000  }
0x43: {  	[spmem:s2] =	stream.indirect.scatter.add.f32 [tilespmem:s19], [sflag:$0x2], $0x80, s29, s18, $0xb8;
	[tilespmem:$0x1C800] =	vst v63  }
0x44: {  	s31 =	sand.u32 $0x3E00, s30;
	_ =	swait.ge [sflag:s14], $0x4000  }
0x45: {  	s25 =	sand.u32 $0x70, s30;
	s26 =	sshrl.u32 s31, $0x2;
	[sflag:s14] =	ssyncset.done $0x0  }
0x46: {  	s25 =	sor.u32 s25, s26;
	[sflag:s14] =	ssyncadd.s32 $0xFFFFC000  }
0x47: {  	v2 =	vld [tilespmem:s25+$0x15000];
	_ =	sdelay $0x4  }
0x48: {  	s28 =	simm.s32 $0x40  }
0x49: {  	s28 =	sand.u32 $0x3E00, s28;
	s26 =	simm.s32 $0x80;
	s25 =	simm.s32 $0x10  }
.LBB2_7:
0x4a: {  	p0 =	sne.s32 s26, $0x3FC0;
	s29 =	sand.u32 $0x70, s25;
	s28 =	sshrl.u32 s28, $0x2  }
0x4b: {  	s28 =	sor.u32 s29, s28;
	[tilespmem:v2+s21+$0x0] =	vst.idx.add.f32.msk $0xffff, v1  }
0x4c: {  	v2 =	vld [tilespmem:s28+$0x15000];
	_ =	sdelay $0x1  }
.Ltmp2:
0x4d: {  	(pc) =	sbr.rel @p0 .LBB2_7-.Ltmp2, $2  }
0x4e: {  	_ =	sdelay $0x2  }
0x4f: {  	s25 =	sadd.s32 $0x10, s25;
	s28 =	sand.u32 $0x3E00, s26;
	s26 =	sadd.s32 $0x40, s26  }
0x50: {  	_ =	sdelay $0x2  }
0x51: {  	s25 =	sand.u32 $0x70, s25;
	s26 =	sshrl.u32 s28, $0x2  }
0x52: {  	[tilespmem:v2+s21+$0x0] =	vst.idx.add.f32.msk $0xffff, v1;
	s25 =	sor.u32 s25, s26  }
0x53: {  	v2 =	vld [tilespmem:s25+$0x15000];
	_ =	sdelay $0x1  }
0x54: {  	s24 =	sadd.s32 $0x1, s24  }
0x55: {  	p0 =	sne.s32 s24, $0x5  }
.Ltmp3:
0x56: {  	_ = 	snop;
	(pc) =	sbr.rel @p0 .LBB2_4-.Ltmp3, $2  }
0x57: {  	_ =	sdelay $0x2  }
0x58: {  	[tilespmem:v2+s21+$0x0] =	vst.idx.add.f32.msk $0xffff, v1  }
0x59: {  	[bflag:$0x0] =	sbarrier.arrive $0xFFFF  }
0x5a: {  	[hbm:s10], [sflag:s8] =	dma.local [spmem:s13], $0x2800  }
0x5b: {  	s4 =	sadd.s32 $0x1, s4;
	_ =	swait.ge [sflag:s14], $0x2800  }
0x5c: {  	p0 =	sne.s32 s4, s12;
	[sflag:s14] =	ssyncset.done $0x0  }
.Ltmp4:
0x5d: {  	[sflag:s14] =	ssyncadd.s32 $0xFFFFD800;
	(pc) =	sbr.rel @p0 .LBB2_1-.Ltmp4, $4  }
0x5e: {  	[hbm4b:s11+s18] =	stream.strided.scatter [tilespmem:s21], [sflag:$0x2], $0x2800, s22, s18, $0x38;
	[tilespmem:$0x1C800] =	vst v63  }
0x5f: {  	_ =	swait.ge [sflag:s14], $0x2800  }
0x60: {  	[sflag:s14] =	ssyncset.done $0x0  }
0x61: {  	[sflag:s14] =	ssyncadd.s32 $0xFFFFD800  }
0x62: {  	_ =	sfence.sel $0x180000  }
0x63: {  	[bflag:$0x0] =	sbarrier.arrive $0xFFFF  }
0x64: {  	p0 =	sne.s32 s3, $0x0;
	_ =	strace $0x90000047  }
0x65: {  	s0 =	sadd.s32 @!p0 $0x100000, s0;
	[bflag:$0x2] =	sbarrier.arrive $0xFFFF  }
0x66: {  	[sflag:s0] =	ssyncadd.tile.s32 @!p0 $0x1;
	_ =	shalt  }
.Lfunc_end2:
_tile_overlayer_lowered:
.L_overlay_start_2:
0x67: {  	(tag) =	ssettag $0x2  }
0x68: {  	s0 =	rddreg [dreg:$0x0];
	s2 =	stileid.u32  }
0x69: {  	s1 =	rddreg [dreg:$0x1];
	p0 =	sne.s32 s2, $0x0  }
0x6a: {  	s3 =	rddreg [dreg:$0x2];
	[bflag:$0x3] =	sbarrier.arrive $0xFFFF;
	s2 =	simm.s32 @!p0 $0x1C02  }
0x6b: {  	[timem:s3], [sflag:s2] =	dma.local @!p0 [hbm:s0], s1  }
0x6c: {  	s0 =	simm.s32 @!p0 $0x2  }
0x6d: {  	_ =	swait.ge @!p0 [sflag:s0], s1  }
0x6e: {  	s1 =	ssub.s32 @!p0 $0x0, s1;
	[sflag:s0] =	ssyncset.done @!p0 $0x0  }
0x6f: {  	[sflag:s0] =	ssyncadd.s32 @!p0 s1  }
0x70: {  	[bflag:$0x3] =	sbarrier.arrive $0xFFFF  }
0x71: {  	_ =	shalt  }

</sc_bundles>
